<compile_context>
chip_gen: v7x
topology: tpu7x:2x2x1
jax: 0.10.2.dev20260603
libtpu: 0.0.44.dev20260713+nightly
codegen_flags: <defaults>
</compile_context>

<pallas_src>
import functools

import jax
import jax.numpy as jnp
from jax import lax
from jax.experimental import pallas as pl
from jax.experimental.pallas import tpu as pltpu
from jax.experimental.pallas import tpu_sc as plsc

_NUM_EMBEDDINGS = 32000
_DIM = 128
_BATCH = 4
_SEQ = 8192
_N = _BATCH * _SEQ

_info = plsc.get_sparse_core_info()
_NC = _info.num_cores
_NS = _info.num_subcores
_NW = _NC * _NS
_BPW = _N // _NW
_CHUNK = 128
_NCHUNK = _BPW // _CHUNK

_mesh = plsc.VectorSubcoreMesh(core_axis_name="c", subcore_axis_name="s")


_NBUF = 6
_WPS = _SEQ // _BPW


@functools.partial(
    pl.kernel,
    mesh=_mesh,
    out_type=jax.ShapeDtypeStruct((_N, _DIM), jnp.float32),
    scratch_types=[
        pltpu.VMEM((_BPW,), jnp.int32),
        *[pltpu.VMEM((_CHUNK, _DIM), jnp.float32) for _ in range(_NBUF)],
        *[pltpu.SemaphoreType.DMA for _ in range(2 * _NBUF)],
    ],
)
def _embed_sc(idx_hbm, table_hbm, out_hbm, idx_v, *bufs_and_sems):
    rows = bufs_and_sems[:_NBUF]
    gsem = bufs_and_sems[_NBUF:2 * _NBUF]
    ssem = bufs_and_sems[2 * _NBUF:]

    wid = lax.axis_index("s") * _NC + lax.axis_index("c")
    base = wid * _BPW

    pltpu.sync_copy(
        idx_hbm.at[wid // _WPS, pl.ds((wid % _WPS) * _BPW, _BPW)], idx_v)

    def gather(j):
        b = j % _NBUF
        return pltpu.async_copy(
            table_hbm.at[idx_v.at[pl.ds(j * _CHUNK, _CHUNK)]],
            rows[b], gsem[b])

    def store(j):
        b = j % _NBUF
        return pltpu.async_copy(
            rows[b], out_hbm.at[pl.ds(base + j * _CHUNK, _CHUNK)], ssem[b])

    gathers = [gather(j) for j in range(_NBUF)]
    stores = [None] * _NCHUNK
    for j in range(_NCHUNK):
        gathers[j].wait()
        stores[j] = store(j)
        nxt = j + _NBUF
        if nxt < _NCHUNK:
            stores[j].wait()
            gathers.append(gather(nxt))
    for j in range(_NCHUNK - _NBUF, _NCHUNK):
        stores[j].wait()


def kernel(input_, weight):
    if input_.dtype != jnp.int32:
        input_ = input_.astype(jnp.int32)
    out = _embed_sc(input_, weight)
    return out.reshape(_BATCH, _SEQ, _DIM)

# --- scband reference (transcript-rebuilt; emitter-appended) ---
"""Pipeline reference for scband-vocab-embedding-3453153706238 (READ-ONLY COPY).

The authoritative reference and input builder live on the scoring server;
editing this copy changes nothing except your own understanding.
"""

import jax, jax.numpy as jnp
import numpy as np

NUM_EMBEDDINGS = 32000
EMBEDDING_DIM = 128
BATCH = 4
SEQ_LEN = 8192

def setup_inputs(seed: int = 0) -> dict:
    key = jax.random.key(seed)
    k1, k2 = jax.random.split(key)
    input_ = jax.random.randint(k1, (BATCH, SEQ_LEN), 0, NUM_EMBEDDINGS, dtype=jnp.int64 if jax.config.jax_enable_x64 else jnp.int32)
    # Parameter initialized like torch.Tensor + typical init; use normal for determinism
    weight = jax.random.normal(k2, (NUM_EMBEDDINGS, EMBEDDING_DIM), dtype=jnp.float32) * 0.02
    return {"input_": input_, "weight": weight}

def reference(input_, weight):
    # F.embedding with padding_idx=None, max_norm=None -> plain row gather
    output = jnp.take(weight, input_, axis=0)
    return output

if __name__ == "__main__":
    import jax
    _d = setup_inputs()
    print(jax.jit(kernel)(*tuple(_d.values())))

</pallas_src>

<mosaic_0001>
#map = affine_map<(d0, d1) -> (0, 0)>
module attributes {stable_mosaic.version = 14 : i64} {
  func.func @_embed_sc(%arg0: i32, %arg1: i32, %arg2: memref<4x8192xi32, #tpu.memory_space<hbm>>, %arg3: memref<32000x128xf32, #tpu.memory_space<hbm>>, %arg4: memref<32768x128xf32, #tpu.memory_space<hbm>>, %arg5: memref<1024xi32, #tpu.memory_space<vmem>>, %arg6: memref<128x128xf32, #tpu.memory_space<vmem>>, %arg7: memref<128x128xf32, #tpu.memory_space<vmem>>, %arg8: memref<128x128xf32, #tpu.memory_space<vmem>>, %arg9: memref<128x128xf32, #tpu.memory_space<vmem>>, %arg10: memref<128x128xf32, #tpu.memory_space<vmem>>, %arg11: memref<128x128xf32, #tpu.memory_space<vmem>>, %arg12: memref<!tpu.dma_semaphore, #tpu.memory_space<semaphore_mem>>, %arg13: memref<!tpu.dma_semaphore, #tpu.memory_space<semaphore_mem>>, %arg14: memref<!tpu.dma_semaphore, #tpu.memory_space<semaphore_mem>>, %arg15: memref<!tpu.dma_semaphore, #tpu.memory_space<semaphore_mem>>, %arg16: memref<!tpu.dma_semaphore, #tpu.memory_space<semaphore_mem>>, %arg17: memref<!tpu.dma_semaphore, #tpu.memory_space<semaphore_mem>>, %arg18: memref<!tpu.dma_semaphore, #tpu.memory_space<semaphore_mem>>, %arg19: memref<!tpu.dma_semaphore, #tpu.memory_space<semaphore_mem>>, %arg20: memref<!tpu.dma_semaphore, #tpu.memory_space<semaphore_mem>>, %arg21: memref<!tpu.dma_semaphore, #tpu.memory_space<semaphore_mem>>, %arg22: memref<!tpu.dma_semaphore, #tpu.memory_space<semaphore_mem>>, %arg23: memref<!tpu.dma_semaphore, #tpu.memory_space<semaphore_mem>>) attributes {dimension_semantics = [#tpu.dimension_semantics<core_parallel>, #tpu.dimension_semantics<subcore_parallel>], iteration_bounds = array<i64: 2, 16>, scalar_prefetch = 0 : i64, scratch_operands = 19 : i64, tpu.core_type = #tpu.core_type<sc_vector_subcore>, window_params = [{transform_indices = #map}, {transform_indices = #map}, {transform_indices = #map}]} {
    %mul3A = arith.constant 2 : i32
    %mul3A_0 = arith.muli %arg1, %mul3A : i32
    %add3A = arith.addi %mul3A_0, %arg0 : i32
    %mul3A_1 = arith.constant 1024 : i32
    %mul3A_2 = arith.muli %add3A, %mul3A_1 : i32
    %jit3A = arith.constant 8 : i32
    %div3A = arith.divsi %add3A, %jit3A : i32
    %sign3A = arith.constant 0 : i32
    %sign3A_3 = arith.cmpi sgt, %add3A, %sign3A : i32
    %sign3A_4 = arith.extui %sign3A_3 : i1 to i32
    %sign3A_5 = arith.constant 0 : i32
    %sign3A_6 = arith.cmpi slt, %add3A, %sign3A_5 : i32
    %sign3A_7 = arith.extui %sign3A_6 : i1 to i32
    %sign3A_8 = arith.subi %sign3A_4, %sign3A_7 : i32
    %sign3A_9 = arith.constant 0 : i32
    %sign3A_10 = arith.cmpi sgt, %jit3A, %sign3A_9 : i32
    %sign3A_11 = arith.extui %sign3A_10 : i1 to i32
    %sign3A_12 = arith.constant 0 : i32
    %sign3A_13 = arith.cmpi slt, %jit3A, %sign3A_12 : i32
    %sign3A_14 = arith.extui %sign3A_13 : i1 to i32
    %sign3A_15 = arith.subi %sign3A_11, %sign3A_14 : i32
    %ne3A = arith.cmpi ne, %sign3A_8, %sign3A_15 : i32
    %rem3A = arith.remsi %add3A, %jit3A : i32
    %ne3A_16 = arith.constant 0 : i32
    %ne3A_17 = arith.cmpi ne, %rem3A, %ne3A_16 : i32
    %and3A = arith.andi %ne3A, %ne3A_17 : i1
    %sub3A = arith.constant 1 : i32
    %sub3A_18 = arith.subi %div3A, %sub3A : i32
    %select_n3A = arith.select %and3A, %sub3A_18, %div3A : i32
    %jit3A_19 = arith.constant 8 : i32
    %eq3A = arith.constant 0 : i32
    %eq3A_20 = arith.cmpi eq, %jit3A_19, %eq3A : i32
    %jit3A_21 = arith.constant 1 : i32
    %select_n3A_22 = arith.select %eq3A_20, %jit3A_21, %jit3A_19 : i32
    %rem3A_23 = arith.remsi %add3A, %select_n3A_22 : i32
    %ne3A_24 = arith.constant 0 : i32
    %ne3A_25 = arith.cmpi ne, %rem3A_23, %ne3A_24 : i32
    %lt3A = arith.constant 0 : i32
    %lt3A_26 = arith.cmpi slt, %rem3A_23, %lt3A : i32
    %lt3A_27 = arith.constant 0 : i32
    %lt3A_28 = arith.cmpi slt, %select_n3A_22, %lt3A_27 : i32
    %ne3A_29 = arith.xori %lt3A_26, %lt3A_28 : i1
    %and3A_30 = arith.andi %ne3A_29, %ne3A_25 : i1
    %add3A_31 = arith.addi %rem3A_23, %select_n3A_22 : i32
    %select_n3A_32 = arith.select %and3A_30, %add3A_31, %rem3A_23 : i32
    %mul3A_33 = arith.constant 1024 : i32
    %mul3A_34 = arith.muli %select_n3A_32, %mul3A_33 : i32
    "tpu.region"() ({
      %run_scoped3A = tpu.sem_alloc : memref<!tpu.dma_semaphore, #tpu.memory_space<semaphore_mem>>
      %dma_start3A_193 = tpu.memref_slice %arg2[%select_n3A, %mul3A_34] : memref<4x8192xi32, #tpu.memory_space<hbm>> -> memref<1x1024xi32, #tpu.memory_space<hbm>>
      %dma_start3A_194 = tpu.memref_squeeze %dma_start3A_193 : memref<1x1024xi32, #tpu.memory_space<hbm>> -> memref<1024xi32, #tpu.memory_space<hbm>>
      %dma_start3A_195 = tpu.memref_slice %arg2[%select_n3A, %mul3A_34] : memref<4x8192xi32, #tpu.memory_space<hbm>> -> memref<1x1024xi32, #tpu.memory_space<hbm>>
      %dma_start3A_196 = tpu.memref_squeeze %dma_start3A_195 : memref<1x1024xi32, #tpu.memory_space<hbm>> -> memref<1024xi32, #tpu.memory_space<hbm>>
      tpu.enqueue_dma source(%dma_start3A_196 : memref<1024xi32, #tpu.memory_space<hbm>>) target(%arg5 : memref<1024xi32, #tpu.memory_space<vmem>>) target_semaphore(%run_scoped3A : memref<!tpu.dma_semaphore, #tpu.memory_space<semaphore_mem>>)
      %dma_wait3A_197 = tpu.memref_slice %arg2[%select_n3A, %mul3A_34] : memref<4x8192xi32, #tpu.memory_space<hbm>> -> memref<1x1024xi32, #tpu.memory_space<hbm>>
      %dma_wait3A_198 = tpu.memref_squeeze %dma_wait3A_197 : memref<1x1024xi32, #tpu.memory_space<hbm>> -> memref<1024xi32, #tpu.memory_space<hbm>>
      %dma_wait3A_199 = tpu.memref_slice %arg2[%select_n3A, %mul3A_34] : memref<4x8192xi32, #tpu.memory_space<hbm>> -> memref<1x1024xi32, #tpu.memory_space<hbm>>
      %dma_wait3A_200 = tpu.memref_squeeze %dma_wait3A_199 : memref<1x1024xi32, #tpu.memory_space<hbm>> -> memref<1024xi32, #tpu.memory_space<hbm>>
      tpu.wait_dma2 semaphore(%run_scoped3A : memref<!tpu.dma_semaphore, #tpu.memory_space<semaphore_mem>>) src(%dma_wait3A_200 : memref<1024xi32, #tpu.memory_space<hbm>>) dst(%arg5 : memref<1024xi32, #tpu.memory_space<vmem>>)
      tpu.yield
    }) : () -> ()
    %dma_start3A = arith.constant 0 : i32
    %dma_start3A_35 = tpu.memref_slice %arg5[%dma_start3A] : memref<1024xi32, #tpu.memory_space<vmem>> -> memref<128xi32, #tpu.memory_space<vmem>>
    %dma_start3A_36 = arith.constant 0 : i32
    %dma_start3A_37 = arith.constant 0 : i32
    %dma_start3A_38 = tpu.memref_slice %arg3[%dma_start3A_36, %dma_start3A_37] : memref<32000x128xf32, #tpu.memory_space<hbm>> -> memref<32000x128xf32, #tpu.memory_space<hbm>>
    tpu.enqueue_indirect_dma source(%dma_start3A_38 : memref<32000x128xf32, #tpu.memory_space<hbm>>) target(%arg6 : memref<128x128xf32, #tpu.memory_space<vmem>>) offsets(%dma_start3A_35 : memref<128xi32, #tpu.memory_space<vmem>>) semaphore(%arg12 : memref<!tpu.dma_semaphore, #tpu.memory_space<semaphore_mem>>)
    %dma_start3A_39 = arith.constant 128 : i32
    %dma_start3A_40 = tpu.memref_slice %arg5[%dma_start3A_39] : memref<1024xi32, #tpu.memory_space<vmem>> -> memref<128xi32, #tpu.memory_space<vmem>>
    %dma_start3A_41 = arith.constant 0 : i32
    %dma_start3A_42 = arith.constant 0 : i32
    %dma_start3A_43 = tpu.memref_slice %arg3[%dma_start3A_41, %dma_start3A_42] : memref<32000x128xf32, #tpu.memory_space<hbm>> -> memref<32000x128xf32, #tpu.memory_space<hbm>>
    tpu.enqueue_indirect_dma source(%dma_start3A_43 : memref<32000x128xf32, #tpu.memory_space<hbm>>) target(%arg7 : memref<128x128xf32, #tpu.memory_space<vmem>>) offsets(%dma_start3A_40 : memref<128xi32, #tpu.memory_space<vmem>>) semaphore(%arg13 : memref<!tpu.dma_semaphore, #tpu.memory_space<semaphore_mem>>)
    %dma_start3A_44 = arith.constant 256 : i32
    %dma_start3A_45 = tpu.memref_slice %arg5[%dma_start3A_44] : memref<1024xi32, #tpu.memory_space<vmem>> -> memref<128xi32, #tpu.memory_space<vmem>>
    %dma_start3A_46 = arith.constant 0 : i32
    %dma_start3A_47 = arith.constant 0 : i32
    %dma_start3A_48 = tpu.memref_slice %arg3[%dma_start3A_46, %dma_start3A_47] : memref<32000x128xf32, #tpu.memory_space<hbm>> -> memref<32000x128xf32, #tpu.memory_space<hbm>>
    tpu.enqueue_indirect_dma source(%dma_start3A_48 : memref<32000x128xf32, #tpu.memory_space<hbm>>) target(%arg8 : memref<128x128xf32, #tpu.memory_space<vmem>>) offsets(%dma_start3A_45 : memref<128xi32, #tpu.memory_space<vmem>>) semaphore(%arg14 : memref<!tpu.dma_semaphore, #tpu.memory_space<semaphore_mem>>)
    %dma_start3A_49 = arith.constant 384 : i32
    %dma_start3A_50 = tpu.memref_slice %arg5[%dma_start3A_49] : memref<1024xi32, #tpu.memory_space<vmem>> -> memref<128xi32, #tpu.memory_space<vmem>>
    %dma_start3A_51 = arith.constant 0 : i32
    %dma_start3A_52 = arith.constant 0 : i32
    %dma_start3A_53 = tpu.memref_slice %arg3[%dma_start3A_51, %dma_start3A_52] : memref<32000x128xf32, #tpu.memory_space<hbm>> -> memref<32000x128xf32, #tpu.memory_space<hbm>>
    tpu.enqueue_indirect_dma source(%dma_start3A_53 : memref<32000x128xf32, #tpu.memory_space<hbm>>) target(%arg9 : memref<128x128xf32, #tpu.memory_space<vmem>>) offsets(%dma_start3A_50 : memref<128xi32, #tpu.memory_space<vmem>>) semaphore(%arg15 : memref<!tpu.dma_semaphore, #tpu.memory_space<semaphore_mem>>)
    %dma_start3A_54 = arith.constant 512 : i32
    %dma_start3A_55 = tpu.memref_slice %arg5[%dma_start3A_54] : memref<1024xi32, #tpu.memory_space<vmem>> -> memref<128xi32, #tpu.memory_space<vmem>>
    %dma_start3A_56 = arith.constant 0 : i32
    %dma_start3A_57 = arith.constant 0 : i32
    %dma_start3A_58 = tpu.memref_slice %arg3[%dma_start3A_56, %dma_start3A_57] : memref<32000x128xf32, #tpu.memory_space<hbm>> -> memref<32000x128xf32, #tpu.memory_space<hbm>>
    tpu.enqueue_indirect_dma source(%dma_start3A_58 : memref<32000x128xf32, #tpu.memory_space<hbm>>) target(%arg10 : memref<128x128xf32, #tpu.memory_space<vmem>>) offsets(%dma_start3A_55 : memref<128xi32, #tpu.memory_space<vmem>>) semaphore(%arg16 : memref<!tpu.dma_semaphore, #tpu.memory_space<semaphore_mem>>)
    %dma_start3A_59 = arith.constant 640 : i32
    %dma_start3A_60 = tpu.memref_slice %arg5[%dma_start3A_59] : memref<1024xi32, #tpu.memory_space<vmem>> -> memref<128xi32, #tpu.memory_space<vmem>>
    %dma_start3A_61 = arith.constant 0 : i32
    %dma_start3A_62 = arith.constant 0 : i32
    %dma_start3A_63 = tpu.memref_slice %arg3[%dma_start3A_61, %dma_start3A_62] : memref<32000x128xf32, #tpu.memory_space<hbm>> -> memref<32000x128xf32, #tpu.memory_space<hbm>>
    tpu.enqueue_indirect_dma source(%dma_start3A_63 : memref<32000x128xf32, #tpu.memory_space<hbm>>) target(%arg11 : memref<128x128xf32, #tpu.memory_space<vmem>>) offsets(%dma_start3A_60 : memref<128xi32, #tpu.memory_space<vmem>>) semaphore(%arg17 : memref<!tpu.dma_semaphore, #tpu.memory_space<semaphore_mem>>)
    %dma_wait3A = arith.constant 0 : i32
    %dma_wait3A_64 = tpu.memref_slice %arg5[%dma_wait3A] : memref<1024xi32, #tpu.memory_space<vmem>> -> memref<128xi32, #tpu.memory_space<vmem>>
    %dma_wait3A_65 = arith.constant 0 : i32
    %dma_wait3A_66 = arith.constant 0 : i32
    %dma_wait3A_67 = tpu.memref_slice %arg3[%dma_wait3A_65, %dma_wait3A_66] : memref<32000x128xf32, #tpu.memory_space<hbm>> -> memref<32000x128xf32, #tpu.memory_space<hbm>>
    tpu.wait_indirect_dma semaphore(%arg12 : memref<!tpu.dma_semaphore, #tpu.memory_space<semaphore_mem>>) src(%dma_wait3A_67 : memref<32000x128xf32, #tpu.memory_space<hbm>>) dst(%arg6 : memref<128x128xf32, #tpu.memory_space<vmem>>)
    %add3A_68 = arith.constant 0 : i32
    %add3A_69 = arith.addi %mul3A_2, %add3A_68 : i32
    %dma_start3A_70 = arith.constant 0 : i32
    %dma_start3A_71 = tpu.memref_slice %arg4[%add3A_69, %dma_start3A_70] : memref<32768x128xf32, #tpu.memory_space<hbm>> -> memref<128x128xf32, #tpu.memory_space<hbm>>
    %dma_start3A_72 = arith.constant 0 : i32
    %dma_start3A_73 = tpu.memref_slice %arg4[%add3A_69, %dma_start3A_72] : memref<32768x128xf32, #tpu.memory_space<hbm>> -> memref<128x128xf32, #tpu.memory_space<hbm>>
    tpu.enqueue_dma source(%arg6 : memref<128x128xf32, #tpu.memory_space<vmem>>) target(%dma_start3A_73 : memref<128x128xf32, #tpu.memory_space<hbm>>) target_semaphore(%arg18 : memref<!tpu.dma_semaphore, #tpu.memory_space<semaphore_mem>>)
    %dma_wait3A_74 = arith.constant 0 : i32
    %dma_wait3A_75 = tpu.memref_slice %arg4[%add3A_69, %dma_wait3A_74] : memref<32768x128xf32, #tpu.memory_space<hbm>> -> memref<128x128xf32, #tpu.memory_space<hbm>>
    %dma_wait3A_76 = arith.constant 0 : i32
    %dma_wait3A_77 = tpu.memref_slice %arg4[%add3A_69, %dma_wait3A_76] : memref<32768x128xf32, #tpu.memory_space<hbm>> -> memref<128x128xf32, #tpu.memory_space<hbm>>
    tpu.wait_dma2 semaphore(%arg18 : memref<!tpu.dma_semaphore, #tpu.memory_space<semaphore_mem>>) src(%arg6 : memref<128x128xf32, #tpu.memory_space<vmem>>) dst(%dma_wait3A_77 : memref<128x128xf32, #tpu.memory_space<hbm>>)
    %dma_start3A_78 = arith.constant 768 : i32
    %dma_start3A_79 = tpu.memref_slice %arg5[%dma_start3A_78] : memref<1024xi32, #tpu.memory_space<vmem>> -> memref<128xi32, #tpu.memory_space<vmem>>
    %dma_start3A_80 = arith.constant 0 : i32
    %dma_start3A_81 = arith.constant 0 : i32
    %dma_start3A_82 = tpu.memref_slice %arg3[%dma_start3A_80, %dma_start3A_81] : memref<32000x128xf32, #tpu.memory_space<hbm>> -> memref<32000x128xf32, #tpu.memory_space<hbm>>
    tpu.enqueue_indirect_dma source(%dma_start3A_82 : memref<32000x128xf32, #tpu.memory_space<hbm>>) target(%arg6 : memref<128x128xf32, #tpu.memory_space<vmem>>) offsets(%dma_start3A_79 : memref<128xi32, #tpu.memory_space<vmem>>) semaphore(%arg12 : memref<!tpu.dma_semaphore, #tpu.memory_space<semaphore_mem>>)
    %dma_wait3A_83 = arith.constant 128 : i32
    %dma_wait3A_84 = tpu.memref_slice %arg5[%dma_wait3A_83] : memref<1024xi32, #tpu.memory_space<vmem>> -> memref<128xi32, #tpu.memory_space<vmem>>
    %dma_wait3A_85 = arith.constant 0 : i32
    %dma_wait3A_86 = arith.constant 0 : i32
    %dma_wait3A_87 = tpu.memref_slice %arg3[%dma_wait3A_85, %dma_wait3A_86] : memref<32000x128xf32, #tpu.memory_space<hbm>> -> memref<32000x128xf32, #tpu.memory_space<hbm>>
    tpu.wait_indirect_dma semaphore(%arg13 : memref<!tpu.dma_semaphore, #tpu.memory_space<semaphore_mem>>) src(%dma_wait3A_87 : memref<32000x128xf32, #tpu.memory_space<hbm>>) dst(%arg7 : memref<128x128xf32, #tpu.memory_space<vmem>>)
    %add3A_88 = arith.constant 128 : i32
    %add3A_89 = arith.addi %mul3A_2, %add3A_88 : i32
    %dma_start3A_90 = arith.constant 0 : i32
    %dma_start3A_91 = tpu.memref_slice %arg4[%add3A_89, %dma_start3A_90] : memref<32768x128xf32, #tpu.memory_space<hbm>> -> memref<128x128xf32, #tpu.memory_space<hbm>>
    %dma_start3A_92 = arith.constant 0 : i32
    %dma_start3A_93 = tpu.memref_slice %arg4[%add3A_89, %dma_start3A_92] : memref<32768x128xf32, #tpu.memory_space<hbm>> -> memref<128x128xf32, #tpu.memory_space<hbm>>
    tpu.enqueue_dma source(%arg7 : memref<128x128xf32, #tpu.memory_space<vmem>>) target(%dma_start3A_93 : memref<128x128xf32, #tpu.memory_space<hbm>>) target_semaphore(%arg19 : memref<!tpu.dma_semaphore, #tpu.memory_space<semaphore_mem>>)
    %dma_wait3A_94 = arith.constant 0 : i32
    %dma_wait3A_95 = tpu.memref_slice %arg4[%add3A_89, %dma_wait3A_94] : memref<32768x128xf32, #tpu.memory_space<hbm>> -> memref<128x128xf32, #tpu.memory_space<hbm>>
    %dma_wait3A_96 = arith.constant 0 : i32
    %dma_wait3A_97 = tpu.memref_slice %arg4[%add3A_89, %dma_wait3A_96] : memref<32768x128xf32, #tpu.memory_space<hbm>> -> memref<128x128xf32, #tpu.memory_space<hbm>>
    tpu.wait_dma2 semaphore(%arg19 : memref<!tpu.dma_semaphore, #tpu.memory_space<semaphore_mem>>) src(%arg7 : memref<128x128xf32, #tpu.memory_space<vmem>>) dst(%dma_wait3A_97 : memref<128x128xf32, #tpu.memory_space<hbm>>)
    %dma_start3A_98 = arith.constant 896 : i32
    %dma_start3A_99 = tpu.memref_slice %arg5[%dma_start3A_98] : memref<1024xi32, #tpu.memory_space<vmem>> -> memref<128xi32, #tpu.memory_space<vmem>>
    %dma_start3A_100 = arith.constant 0 : i32
    %dma_start3A_101 = arith.constant 0 : i32
    %dma_start3A_102 = tpu.memref_slice %arg3[%dma_start3A_100, %dma_start3A_101] : memref<32000x128xf32, #tpu.memory_space<hbm>> -> memref<32000x128xf32, #tpu.memory_space<hbm>>
    tpu.enqueue_indirect_dma source(%dma_start3A_102 : memref<32000x128xf32, #tpu.memory_space<hbm>>) target(%arg7 : memref<128x128xf32, #tpu.memory_space<vmem>>) offsets(%dma_start3A_99 : memref<128xi32, #tpu.memory_space<vmem>>) semaphore(%arg13 : memref<!tpu.dma_semaphore, #tpu.memory_space<semaphore_mem>>)
    %dma_wait3A_103 = arith.constant 256 : i32
    %dma_wait3A_104 = tpu.memref_slice %arg5[%dma_wait3A_103] : memref<1024xi32, #tpu.memory_space<vmem>> -> memref<128xi32, #tpu.memory_space<vmem>>
    %dma_wait3A_105 = arith.constant 0 : i32
    %dma_wait3A_106 = arith.constant 0 : i32
    %dma_wait3A_107 = tpu.memref_slice %arg3[%dma_wait3A_105, %dma_wait3A_106] : memref<32000x128xf32, #tpu.memory_space<hbm>> -> memref<32000x128xf32, #tpu.memory_space<hbm>>
    tpu.wait_indirect_dma semaphore(%arg14 : memref<!tpu.dma_semaphore, #tpu.memory_space<semaphore_mem>>) src(%dma_wait3A_107 : memref<32000x128xf32, #tpu.memory_space<hbm>>) dst(%arg8 : memref<128x128xf32, #tpu.memory_space<vmem>>)
    %add3A_108 = arith.constant 256 : i32
    %add3A_109 = arith.addi %mul3A_2, %add3A_108 : i32
    %dma_start3A_110 = arith.constant 0 : i32
    %dma_start3A_111 = tpu.memref_slice %arg4[%add3A_109, %dma_start3A_110] : memref<32768x128xf32, #tpu.memory_space<hbm>> -> memref<128x128xf32, #tpu.memory_space<hbm>>
    %dma_start3A_112 = arith.constant 0 : i32
    %dma_start3A_113 = tpu.memref_slice %arg4[%add3A_109, %dma_start3A_112] : memref<32768x128xf32, #tpu.memory_space<hbm>> -> memref<128x128xf32, #tpu.memory_space<hbm>>
    tpu.enqueue_dma source(%arg8 : memref<128x128xf32, #tpu.memory_space<vmem>>) target(%dma_start3A_113 : memref<128x128xf32, #tpu.memory_space<hbm>>) target_semaphore(%arg20 : memref<!tpu.dma_semaphore, #tpu.memory_space<semaphore_mem>>)
    %dma_wait3A_114 = arith.constant 384 : i32
    %dma_wait3A_115 = tpu.memref_slice %arg5[%dma_wait3A_114] : memref<1024xi32, #tpu.memory_space<vmem>> -> memref<128xi32, #tpu.memory_space<vmem>>
    %dma_wait3A_116 = arith.constant 0 : i32
    %dma_wait3A_117 = arith.constant 0 : i32
    %dma_wait3A_118 = tpu.memref_slice %arg3[%dma_wait3A_116, %dma_wait3A_117] : memref<32000x128xf32, #tpu.memory_space<hbm>> -> memref<32000x128xf32, #tpu.memory_space<hbm>>
    tpu.wait_indirect_dma semaphore(%arg15 : memref<!tpu.dma_semaphore, #tpu.memory_space<semaphore_mem>>) src(%dma_wait3A_118 : memref<32000x128xf32, #tpu.memory_space<hbm>>) dst(%arg9 : memref<128x128xf32, #tpu.memory_space<vmem>>)
    %add3A_119 = arith.constant 384 : i32
    %add3A_120 = arith.addi %mul3A_2, %add3A_119 : i32
    %dma_start3A_121 = arith.constant 0 : i32
    %dma_start3A_122 = tpu.memref_slice %arg4[%add3A_120, %dma_start3A_121] : memref<32768x128xf32, #tpu.memory_space<hbm>> -> memref<128x128xf32, #tpu.memory_space<hbm>>
    %dma_start3A_123 = arith.constant 0 : i32
    %dma_start3A_124 = tpu.memref_slice %arg4[%add3A_120, %dma_start3A_123] : memref<32768x128xf32, #tpu.memory_space<hbm>> -> memref<128x128xf32, #tpu.memory_space<hbm>>
    tpu.enqueue_dma source(%arg9 : memref<128x128xf32, #tpu.memory_space<vmem>>) target(%dma_start3A_124 : memref<128x128xf32, #tpu.memory_space<hbm>>) target_semaphore(%arg21 : memref<!tpu.dma_semaphore, #tpu.memory_space<semaphore_mem>>)
    %dma_wait3A_125 = arith.constant 512 : i32
    %dma_wait3A_126 = tpu.memref_slice %arg5[%dma_wait3A_125] : memref<1024xi32, #tpu.memory_space<vmem>> -> memref<128xi32, #tpu.memory_space<vmem>>
    %dma_wait3A_127 = arith.constant 0 : i32
    %dma_wait3A_128 = arith.constant 0 : i32
    %dma_wait3A_129 = tpu.memref_slice %arg3[%dma_wait3A_127, %dma_wait3A_128] : memref<32000x128xf32, #tpu.memory_space<hbm>> -> memref<32000x128xf32, #tpu.memory_space<hbm>>
    tpu.wait_indirect_dma semaphore(%arg16 : memref<!tpu.dma_semaphore, #tpu.memory_space<semaphore_mem>>) src(%dma_wait3A_129 : memref<32000x128xf32, #tpu.memory_space<hbm>>) dst(%arg10 : memref<128x128xf32, #tpu.memory_space<vmem>>)
    %add3A_130 = arith.constant 512 : i32
    %add3A_131 = arith.addi %mul3A_2, %add3A_130 : i32
    %dma_start3A_132 = arith.constant 0 : i32
    %dma_start3A_133 = tpu.memref_slice %arg4[%add3A_131, %dma_start3A_132] : memref<32768x128xf32, #tpu.memory_space<hbm>> -> memref<128x128xf32, #tpu.memory_space<hbm>>
    %dma_start3A_134 = arith.constant 0 : i32
    %dma_start3A_135 = tpu.memref_slice %arg4[%add3A_131, %dma_start3A_134] : memref<32768x128xf32, #tpu.memory_space<hbm>> -> memref<128x128xf32, #tpu.memory_space<hbm>>
    tpu.enqueue_dma source(%arg10 : memref<128x128xf32, #tpu.memory_space<vmem>>) target(%dma_start3A_135 : memref<128x128xf32, #tpu.memory_space<hbm>>) target_semaphore(%arg22 : memref<!tpu.dma_semaphore, #tpu.memory_space<semaphore_mem>>)
    %dma_wait3A_136 = arith.constant 640 : i32
    %dma_wait3A_137 = tpu.memref_slice %arg5[%dma_wait3A_136] : memref<1024xi32, #tpu.memory_space<vmem>> -> memref<128xi32, #tpu.memory_space<vmem>>
    %dma_wait3A_138 = arith.constant 0 : i32
    %dma_wait3A_139 = arith.constant 0 : i32
    %dma_wait3A_140 = tpu.memref_slice %arg3[%dma_wait3A_138, %dma_wait3A_139] : memref<32000x128xf32, #tpu.memory_space<hbm>> -> memref<32000x128xf32, #tpu.memory_space<hbm>>
    tpu.wait_indirect_dma semaphore(%arg17 : memref<!tpu.dma_semaphore, #tpu.memory_space<semaphore_mem>>) src(%dma_wait3A_140 : memref<32000x128xf32, #tpu.memory_space<hbm>>) dst(%arg11 : memref<128x128xf32, #tpu.memory_space<vmem>>)
    %add3A_141 = arith.constant 640 : i32
    %add3A_142 = arith.addi %mul3A_2, %add3A_141 : i32
    %dma_start3A_143 = arith.constant 0 : i32
    %dma_start3A_144 = tpu.memref_slice %arg4[%add3A_142, %dma_start3A_143] : memref<32768x128xf32, #tpu.memory_space<hbm>> -> memref<128x128xf32, #tpu.memory_space<hbm>>
    %dma_start3A_145 = arith.constant 0 : i32
    %dma_start3A_146 = tpu.memref_slice %arg4[%add3A_142, %dma_start3A_145] : memref<32768x128xf32, #tpu.memory_space<hbm>> -> memref<128x128xf32, #tpu.memory_space<hbm>>
    tpu.enqueue_dma source(%arg11 : memref<128x128xf32, #tpu.memory_space<vmem>>) target(%dma_start3A_146 : memref<128x128xf32, #tpu.memory_space<hbm>>) target_semaphore(%arg23 : memref<!tpu.dma_semaphore, #tpu.memory_space<semaphore_mem>>)
    %dma_wait3A_147 = arith.constant 768 : i32
    %dma_wait3A_148 = tpu.memref_slice %arg5[%dma_wait3A_147] : memref<1024xi32, #tpu.memory_space<vmem>> -> memref<128xi32, #tpu.memory_space<vmem>>
    %dma_wait3A_149 = arith.constant 0 : i32
    %dma_wait3A_150 = arith.constant 0 : i32
    %dma_wait3A_151 = tpu.memref_slice %arg3[%dma_wait3A_149, %dma_wait3A_150] : memref<32000x128xf32, #tpu.memory_space<hbm>> -> memref<32000x128xf32, #tpu.memory_space<hbm>>
    tpu.wait_indirect_dma semaphore(%arg12 : memref<!tpu.dma_semaphore, #tpu.memory_space<semaphore_mem>>) src(%dma_wait3A_151 : memref<32000x128xf32, #tpu.memory_space<hbm>>) dst(%arg6 : memref<128x128xf32, #tpu.memory_space<vmem>>)
    %add3A_152 = arith.constant 768 : i32
    %add3A_153 = arith.addi %mul3A_2, %add3A_152 : i32
    %dma_start3A_154 = arith.constant 0 : i32
    %dma_start3A_155 = tpu.memref_slice %arg4[%add3A_153, %dma_start3A_154] : memref<32768x128xf32, #tpu.memory_space<hbm>> -> memref<128x128xf32, #tpu.memory_space<hbm>>
    %dma_start3A_156 = arith.constant 0 : i32
    %dma_start3A_157 = tpu.memref_slice %arg4[%add3A_153, %dma_start3A_156] : memref<32768x128xf32, #tpu.memory_space<hbm>> -> memref<128x128xf32, #tpu.memory_space<hbm>>
    tpu.enqueue_dma source(%arg6 : memref<128x128xf32, #tpu.memory_space<vmem>>) target(%dma_start3A_157 : memref<128x128xf32, #tpu.memory_space<hbm>>) target_semaphore(%arg18 : memref<!tpu.dma_semaphore, #tpu.memory_space<semaphore_mem>>)
    %dma_wait3A_158 = arith.constant 896 : i32
    %dma_wait3A_159 = tpu.memref_slice %arg5[%dma_wait3A_158] : memref<1024xi32, #tpu.memory_space<vmem>> -> memref<128xi32, #tpu.memory_space<vmem>>
    %dma_wait3A_160 = arith.constant 0 : i32
    %dma_wait3A_161 = arith.constant 0 : i32
    %dma_wait3A_162 = tpu.memref_slice %arg3[%dma_wait3A_160, %dma_wait3A_161] : memref<32000x128xf32, #tpu.memory_space<hbm>> -> memref<32000x128xf32, #tpu.memory_space<hbm>>
    tpu.wait_indirect_dma semaphore(%arg13 : memref<!tpu.dma_semaphore, #tpu.memory_space<semaphore_mem>>) src(%dma_wait3A_162 : memref<32000x128xf32, #tpu.memory_space<hbm>>) dst(%arg7 : memref<128x128xf32, #tpu.memory_space<vmem>>)
    %add3A_163 = arith.constant 896 : i32
    %add3A_164 = arith.addi %mul3A_2, %add3A_163 : i32
    %dma_start3A_165 = arith.constant 0 : i32
    %dma_start3A_166 = tpu.memref_slice %arg4[%add3A_164, %dma_start3A_165] : memref<32768x128xf32, #tpu.memory_space<hbm>> -> memref<128x128xf32, #tpu.memory_space<hbm>>
    %dma_start3A_167 = arith.constant 0 : i32
    %dma_start3A_168 = tpu.memref_slice %arg4[%add3A_164, %dma_start3A_167] : memref<32768x128xf32, #tpu.memory_space<hbm>> -> memref<128x128xf32, #tpu.memory_space<hbm>>
    tpu.enqueue_dma source(%arg7 : memref<128x128xf32, #tpu.memory_space<vmem>>) target(%dma_start3A_168 : memref<128x128xf32, #tpu.memory_space<hbm>>) target_semaphore(%arg19 : memref<!tpu.dma_semaphore, #tpu.memory_space<semaphore_mem>>)
    %dma_wait3A_169 = arith.constant 0 : i32
    %dma_wait3A_170 = tpu.memref_slice %arg4[%add3A_109, %dma_wait3A_169] : memref<32768x128xf32, #tpu.memory_space<hbm>> -> memref<128x128xf32, #tpu.memory_space<hbm>>
    %dma_wait3A_171 = arith.constant 0 : i32
    %dma_wait3A_172 = tpu.memref_slice %arg4[%add3A_109, %dma_wait3A_171] : memref<32768x128xf32, #tpu.memory_space<hbm>> -> memref<128x128xf32, #tpu.memory_space<hbm>>
    tpu.wait_dma2 semaphore(%arg20 : memref<!tpu.dma_semaphore, #tpu.memory_space<semaphore_mem>>) src(%arg8 : memref<128x128xf32, #tpu.memory_space<vmem>>) dst(%dma_wait3A_172 : memref<128x128xf32, #tpu.memory_space<hbm>>)
    %dma_wait3A_173 = arith.constant 0 : i32
    %dma_wait3A_174 = tpu.memref_slice %arg4[%add3A_120, %dma_wait3A_173] : memref<32768x128xf32, #tpu.memory_space<hbm>> -> memref<128x128xf32, #tpu.memory_space<hbm>>
    %dma_wait3A_175 = arith.constant 0 : i32
    %dma_wait3A_176 = tpu.memref_slice %arg4[%add3A_120, %dma_wait3A_175] : memref<32768x128xf32, #tpu.memory_space<hbm>> -> memref<128x128xf32, #tpu.memory_space<hbm>>
    tpu.wait_dma2 semaphore(%arg21 : memref<!tpu.dma_semaphore, #tpu.memory_space<semaphore_mem>>) src(%arg9 : memref<128x128xf32, #tpu.memory_space<vmem>>) dst(%dma_wait3A_176 : memref<128x128xf32, #tpu.memory_space<hbm>>)
    %dma_wait3A_177 = arith.constant 0 : i32
    %dma_wait3A_178 = tpu.memref_slice %arg4[%add3A_131, %dma_wait3A_177] : memref<32768x128xf32, #tpu.memory_space<hbm>> -> memref<128x128xf32, #tpu.memory_space<hbm>>
    %dma_wait3A_179 = arith.constant 0 : i32
    %dma_wait3A_180 = tpu.memref_slice %arg4[%add3A_131, %dma_wait3A_179] : memref<32768x128xf32, #tpu.memory_space<hbm>> -> memref<128x128xf32, #tpu.memory_space<hbm>>
    tpu.wait_dma2 semaphore(%arg22 : memref<!tpu.dma_semaphore, #tpu.memory_space<semaphore_mem>>) src(%arg10 : memref<128x128xf32, #tpu.memory_space<vmem>>) dst(%dma_wait3A_180 : memref<128x128xf32, #tpu.memory_space<hbm>>)
    %dma_wait3A_181 = arith.constant 0 : i32
    %dma_wait3A_182 = tpu.memref_slice %arg4[%add3A_142, %dma_wait3A_181] : memref<32768x128xf32, #tpu.memory_space<hbm>> -> memref<128x128xf32, #tpu.memory_space<hbm>>
    %dma_wait3A_183 = arith.constant 0 : i32
    %dma_wait3A_184 = tpu.memref_slice %arg4[%add3A_142, %dma_wait3A_183] : memref<32768x128xf32, #tpu.memory_space<hbm>> -> memref<128x128xf32, #tpu.memory_space<hbm>>
    tpu.wait_dma2 semaphore(%arg23 : memref<!tpu.dma_semaphore, #tpu.memory_space<semaphore_mem>>) src(%arg11 : memref<128x128xf32, #tpu.memory_space<vmem>>) dst(%dma_wait3A_184 : memref<128x128xf32, #tpu.memory_space<hbm>>)
    %dma_wait3A_185 = arith.constant 0 : i32
    %dma_wait3A_186 = tpu.memref_slice %arg4[%add3A_153, %dma_wait3A_185] : memref<32768x128xf32, #tpu.memory_space<hbm>> -> memref<128x128xf32, #tpu.memory_space<hbm>>
    %dma_wait3A_187 = arith.constant 0 : i32
    %dma_wait3A_188 = tpu.memref_slice %arg4[%add3A_153, %dma_wait3A_187] : memref<32768x128xf32, #tpu.memory_space<hbm>> -> memref<128x128xf32, #tpu.memory_space<hbm>>
    tpu.wait_dma2 semaphore(%arg18 : memref<!tpu.dma_semaphore, #tpu.memory_space<semaphore_mem>>) src(%arg6 : memref<128x128xf32, #tpu.memory_space<vmem>>) dst(%dma_wait3A_188 : memref<128x128xf32, #tpu.memory_space<hbm>>)
    %dma_wait3A_189 = arith.constant 0 : i32
    %dma_wait3A_190 = tpu.memref_slice %arg4[%add3A_164, %dma_wait3A_189] : memref<32768x128xf32, #tpu.memory_space<hbm>> -> memref<128x128xf32, #tpu.memory_space<hbm>>
    %dma_wait3A_191 = arith.constant 0 : i32
    %dma_wait3A_192 = tpu.memref_slice %arg4[%add3A_164, %dma_wait3A_191] : memref<32768x128xf32, #tpu.memory_space<hbm>> -> memref<128x128xf32, #tpu.memory_space<hbm>>
    tpu.wait_dma2 semaphore(%arg19 : memref<!tpu.dma_semaphore, #tpu.memory_space<semaphore_mem>>) src(%arg7 : memref<128x128xf32, #tpu.memory_space<vmem>>) dst(%dma_wait3A_192 : memref<128x128xf32, #tpu.memory_space<hbm>>)
    return
  }
}

</mosaic_0001>

<sc_bundles>
// kernel: kernel.3.cloned.1.call-start
scs
__scs_entry_jumppad:
0x0: {  	(pc) =	sbr.rel $0x88, $3  }
0x1: {  	(tag) =	ssettag $0x0;
	lr =	simm.s32 $0x1  }
0x2: {  	[smem:$0x3F9F] =	sst lr;
	_ =	strace $0xD0000000  }
0x3: {  	_ = 	snop  }
0x4: {  	_ = 	snop  }
0x5: {  	_ = 	snop  }
0x6: {  	_ = 	snop  }
0x7: {  	_ = 	snop  }
__scs_overlays_trampoline_lowered:
0x8: {  	[smem:$0x3FAE] =	sst s0  }
0x9: {  	[smem:$0x3FAF] =	sst s1  }
0xa: {  	[smem:$0x3FB0] =	sst s2  }
0xb: {  	[smem:$0x3FB1] =	sst s3  }
0xc: {  	[smem:$0x3FB2] =	sst s4  }
0xd: {  	[smem:$0x3FB3] =	sst s5  }
0xe: {  	[smem:$0x3FB4] =	sst s6  }
0xf: {  	[smem:$0x3FB5] =	sst s7  }
0x10: {  	[smem:$0x3FB6] =	sst s8  }
0x11: {  	[smem:$0x3FB7] =	sst s9;
	s0 =	simm.s32 @!p0 $0x0  }
0x12: {  	s1 =	sld [smem:$0x3F9D];
	s0 =	simm.s32 @p0 $0x1  }
0x13: {  	[smem:$0x3FB8] =	sst s0;
	s0 =	simm.s32 @!p1 $0x0  }
0x14: {  	s2 =	sld [smem:$0x3F9C];
	s0 =	simm.s32 @p1 $0x1  }
0x15: {  	[smem:$0x3FB9] =	sst s0;
	s0 =	simm.s32 @!p2 $0x0  }
0x16: {  	s3 =	sld [smem:$0x3FDB];
	s0 =	simm.s32 @p2 $0x1  }
0x17: {  	s4 =	simm.s32 $0x1BF5;
	[smem:$0x3FBB] =	sst s0  }
0x18: {  	s0 =	sld [smem:$0x3F9E];
	_ =	swait.ge [sflag:s4], $0x0  }
0x19: {  	s7 =	sld [smem:$0x3F9F]  }
0x1a: {  	s8 =	sadd.s32 $0xFFFFE003, lr  }
0x1b: {  	s9 =	sadd.s32 $0xFFFFFEF7, lr;
	s5 =	simm.s32 $0xFFFFFFFF;
	p2 =	slt.u32 s8, $0xFFFFF086  }
0x1c: {  	p1 =	slt.u32 s9, $0xF7A;
	s5 =	simm.s32 @!p2 $0x0  }
0x1d: {  	s5 =	simm.s32 @p1 $0x1;
	p0 =	seq.s32 s7, s2  }
0x1e: {  	s7 =	smul.u32 @!p0 $0xF7A, s2;
	p2 =	seq.s32 @!p0 s5, $0x0  }
0x1f: {  	s9 =	smul.u32 $0xF7A, s1;
	s8 =	simm.s32 @!p0 $0x1BF5;
	p2 =	por !p2, p0  }
0x20: {  	[sflag:s8] =	ssyncset.s32 @!p0 $0xFFFFF086;
	s6 =	sadd.s32 @!p0 s3, s7;
	s7 =	simm.s32 @!p0 $0x108  }
0x21: {  	s3 =	sadd.s32 s3, s9;
	s6 =	sadd.s32 @!p0 $0x88, s6;
	s7 =	simm.s32 @p2 $0x1082  }
0x22: {  	[simem:s7], [sflag:s8] =	dma.local @!p0 [hbm:s6], $0xF7A  }
0x23: {  	s9 =	sor.u32 $0xD0000000, s2;
	s6 =	simm.s32 $0x108;
	_ =	swait.ge @!p0 [sflag:s8], $0x0  }
0x24: {  	s3 =	sadd.s32 $0x88, s3;
	s6 =	simm.s32 @!p1 $0x1082;
	[sflag:s4] =	ssyncset.s32 $0xFFFFF086  }
0x25: {  	[simem:s6], [sflag:s4] =	dma.local [hbm:s3], $0xF7A  }
0x26: {  	[smem:$0x3F9F] =	sst s1;
	(tag) =	ssettag s2;
	_ =	strace s9  }
0x27: {  	s1 =	sld [smem:$0x3FAF]  }
0x28: {  	s2 =	sld [smem:$0x3FB0]  }
0x29: {  	s4 =	sld [smem:$0x3FB2]  }
0x2a: {  	p0 =	seq.s32 s5, $0x0;
	s5 =	sld [smem:$0x3FB3]  }
0x2b: {  	s6 =	sld [smem:$0x3FB4]  }
0x2c: {  	s7 =	sld [smem:$0x3FB5]  }
0x2d: {  	s3 =	simm.s32 $0x108;
	s8 =	sld [smem:$0x3FB6]  }
0x2e: {  	s3 =	simm.s32 @!p0 $0x1082;
	s9 =	sld [smem:$0x3FB7]  }
0x2f: {  	lr =	sadd.s32 s0, s3;
	s0 =	sld [smem:$0x3FAE]  }
0x30: {  	s3 =	sld [smem:$0x3FB1]  }
0x31: {  	[smem:$0x3FBA] =	sst s10  }
0x32: {  	s10 =	sld [smem:$0x3FB8];
	_ =	sdelay $0x3  }
0x33: {  	p0 =	seq.s32 s10, $0x1;
	s10 =	sld [smem:$0x3FBA];
	_ =	sdelay $0x3  }
0x34: {  	[smem:$0x3FBA] =	sst s10  }
0x35: {  	s10 =	sld [smem:$0x3FB9];
	_ =	sdelay $0x3  }
0x36: {  	p1 =	seq.s32 s10, $0x1;
	s10 =	sld [smem:$0x3FBA];
	_ =	sdelay $0x3  }
0x37: {  	[smem:$0x3FBA] =	sst s10  }
0x38: {  	s10 =	sld [smem:$0x3FBB]  }
0x39: {  	_ = 	snop;
	(pc) =	sbr.ind lr, $3  }
0x3a: {  	_ = 	snop  }
0x3b: {  	_ = 	snop  }
0x3c: {  	p2 =	seq.s32 s10, $0x1;
	s10 =	sld [smem:$0x3FBA]  }
0x3d: {  	_ =	shalt  }
0x3e: {  	_ =	shalt  }
0x3f: {  	_ =	shalt  }
0x40: {  	_ =	shalt  }
0x41: {  	_ =	shalt  }
0x42: {  	_ =	shalt  }
0x43: {  	_ =	shalt  }
0x44: {  	_ =	shalt  }
0x45: {  	_ =	shalt  }
0x46: {  	_ =	shalt  }
0x47: {  	_ =	shalt  }
0x48: {  	_ =	shalt  }
0x49: {  	_ =	shalt  }
0x4a: {  	_ =	shalt  }
0x4b: {  	_ =	shalt  }
0x4c: {  	_ =	shalt  }
0x4d: {  	_ =	shalt  }
0x4e: {  	_ =	shalt  }
0x4f: {  	_ =	shalt  }
0x50: {  	_ =	shalt  }
0x51: {  	_ =	shalt  }
0x52: {  	_ =	shalt  }
0x53: {  	_ =	shalt  }
0x54: {  	_ =	shalt  }
0x55: {  	_ =	shalt  }
0x56: {  	_ =	shalt  }
0x57: {  	_ =	shalt  }
0x58: {  	_ =	shalt  }
0x59: {  	_ =	shalt  }
0x5a: {  	_ =	shalt  }
0x5b: {  	_ =	shalt  }
0x5c: {  	_ =	shalt  }
0x5d: {  	_ =	shalt  }
0x5e: {  	_ =	shalt  }
0x5f: {  	_ =	shalt  }
0x60: {  	_ =	shalt  }
0x61: {  	_ =	shalt  }
0x62: {  	_ =	shalt  }
0x63: {  	_ =	shalt  }
0x64: {  	_ =	shalt  }
0x65: {  	_ =	shalt  }
0x66: {  	_ =	shalt  }
0x67: {  	_ =	shalt  }
0x68: {  	_ =	shalt  }
0x69: {  	_ =	shalt  }
0x6a: {  	_ =	shalt  }
0x6b: {  	_ =	shalt  }
0x6c: {  	_ =	shalt  }
0x6d: {  	_ =	shalt  }
0x6e: {  	_ =	shalt  }
0x6f: {  	_ =	shalt  }
0x70: {  	_ =	shalt  }
0x71: {  	_ =	shalt  }
0x72: {  	_ =	shalt  }
0x73: {  	_ =	shalt  }
0x74: {  	_ =	shalt  }
0x75: {  	_ =	shalt  }
0x76: {  	_ =	shalt  }
0x77: {  	_ =	shalt  }
0x78: {  	_ =	shalt  }
0x79: {  	_ =	shalt  }
0x7a: {  	_ =	shalt  }
0x7b: {  	_ =	shalt  }
0x7c: {  	_ =	shalt  }
0x7d: {  	_ =	shalt  }
0x7e: {  	_ =	shalt  }
0x7f: {  	_ =	shalt  }
0x80: {  	_ =	shalt  }
0x81: {  	_ =	shalt  }
0x82: {  	_ =	shalt  }
0x83: {  	_ =	shalt  }
0x84: {  	_ =	shalt  }
0x85: {  	_ =	shalt  }
0x86: {  	_ =	shalt  }
0x87: {  	_ =	shalt  }
.Lfunc_end0:
.L_simem_size_0:
called_computation_lowered:
.L_overlay_start_0:
0x88: {  	s2 =	sld [smem:$0x3FD9]  }
0x89: {  	s3 =	sld [smem:$0x3FFE];
	_ =	sdelay $0x1  }
0x8a: {  	s1 =	srdreg.scid  }
0x8b: {  	s0 =	sand.u32 $0x1, s1  }
0x8c: {  	s18 =	sshll.u32 s0, $0xA;
	s2 =	sadd.s32 s3, s2  }
0x8d: {  	s2 =	sadd.s32 s2, s18  }
0x8e: {  	[smem:$0x3FC6] =	sst s2  }
0x8f: {  	_ = 	snop  }
0x90: {  	s2 =	sld [smem:$0x3FC9]  }
0x91: {  	s19 =	sld [smem:$0x3FC8]  }
0x92: {  	s4 =	sld [smem:$0x3FD0];
	(tm) =	ssettm $0x1  }
0x93: {  	s5 =	sld [smem:$0x3FFB];
	_ =	sdelay $0x3  }
0x94: {  	_ =	strace s5  }
0x95: {  	s5 =	sld [smem:$0x3FFC];
	_ =	sdelay $0x3  }
0x96: {  	_ =	strace s5  }
0x97: {  	s5 =	sld [smem:$0x3FFD];
	_ =	sdelay $0x3  }
0x98: {  	_ =	strace s5  }
0x99: {  	_ =	strace $0x8FFFFFFF  }
0x9a: {  	s20 =	sld [smem:$0x3FDB];
	_ =	sdelay $0x1  }
0x9b: {  	s6 =	simm.s32 $_scs_section_size  }
0x9c: {  	s7 =	simm.s32 $_size__tile_overlayer_lowered;
	s8 =	simm.s32 $_tile_overlayer_lowered  }
0x9d: {  	s23 =	simm.s32 $0x1BFF;
	s22 =	sshll.u32 s8, $0x1;
	s5 =	sadd.s32 s6, s20  }
0x9e: {  	s9 =	simm.s32 $0x0;
	s21 =	sshll.u32 s7, $0x1;
	s7 =	sadd.s32 s22, s5  }
0x9f: {  	[timem:s9], [sflag:s23] =	dma.local [hbm:s7], s21  }
0xa0: {  	_ =	swait.ge [sflag:s23], s21  }
0xa1: {  	s6 =	ssub.s32 $0x0, s21;
	[sflag:s23] =	ssyncset.done $0x0  }
0xa2: {  	[sflag:s23] =	ssyncadd.s32 s6;
	_ =	sdelay $0x1  }
0xa3: {  	s24 =	simm.s32 $0x1B8B  }
0xa4: {  	_ =	swait.ge [sflag:s24], $0x1  }
0xa5: {  	[sflag:s24] =	ssyncset.done $0x0  }
0xa6: {  	s25 =	simm.s32 $0x1B8E;
	[sflag:s24] =	ssyncadd.s32 $0xFFFFFFFF  }
0xa7: {  	s26 =	simm.s32 $execute0_lowered;
	[smem:$0x3FD2] =	sst s25  }
0xa8: {  	s6 =	sshll.u32 s26, $0x1;
	_ =	strace $0x80000046;
	[dreg:$0x1] =	wrdreg $0xFFFFFFFF  }
0xa9: {  	s28 =	simm.s32 $_size_execute0_lowered;
	s5 =	sadd.s32 s5, s6;
	[dreg:$0x0] =	wrdreg $0x0  }
0xaa: {  	s6 =	sshll.u32 s28, $0x1;
	[dreg:$0x2] =	wrdreg s5  }
0xab: {  	[dreg:$0x3] =	wrdreg s6  }
0xac: {  	[dreg:$0x4] =	wrdreg $0xC0  }
0xad: {  	_ =	task [dreg:s9], $0x5FFFF  }
0xae: {  	[dreg:$0x1] =	wrdreg $0xFFFFFFFF  }
0xaf: {  	[dreg:$0x0] =	wrdreg $0x60  }
0xb0: {  	[dreg:$0x2] =	wrdreg s2  }
0xb1: {  	[dreg:$0x3] =	wrdreg s19  }
0xb2: {  	[dreg:$0x4] =	wrdreg s4  }
0xb3: {  	[dreg:$0x5] =	wrdreg $0x9  }
0xb4: {  	_ =	task.clear_ibuf [dreg:s9], $0x6FFFF;
	_ =	strace $0x90000046  }
0xb5: {  	s29 =	simm.s32 $0x9;
	_ =	strace $0x80000048  }
0xb6: {  	_ =	swait.ge [sflag:s29], $0x1  }
0xb7: {  	[sflag:s29] =	ssyncadd.s32 $0xFFFFFFFF  }
0xb8: {  	_ =	strace $0x90000048  }
0xb9: {  	_ =	sfence  }
0xba: {  	s30 =	sld [smem:$0x0];
	_ =	sdelay $0x2  }
0xbb: {  	s31 =	sshll.u32 s1, $0xD;
	s1 =	sshrl.u32 s1, $0x2  }
0xbc: {  	s3 =	sand.u32 $0x4000, s31;
	s1 =	sadd.s32 s1, s30  }
0xbd: {  	s0 =	sor.u32 s3, s0;
	s1 =	sshll.u32 s1, $0x11  }
0xbe: {  	s0 =	sor.u32 s1, s0  }
0xbf: {  	s0 =	sadd.s32 $0x8F2B, s0  }
0xc0: {  	[sflag:s0] =	ssyncadd.remote.s32 $0x1  }
0xc1: {  	_ =	sfence.sel $0xFFFF  }
0xc2: {  	[dreg:$0x0] =	wrdreg $0xFFFFFFFF;
	(pc) =	sbr.abs _section_cstart, $3  }
0xc3: {  	[dreg:$0x1] =	wrdreg $0xFFFFFFFF  }
0xc4: {  	_ =	task.clear_ibuf [dreg:s9], $0x2FFFF;
	_ =	strace $0x9FFFFFFF  }
0xc5: {  	(tm) =	ssettm $0x7FFFFFFF  }
tec
execute0_lowered:
.L_overlay_start_1:
0x0: {  	(tag) =	ssettag $0x1  }
0x1: {  	s0 =	rddreg [dreg:$0x0]  }
0x2: {  	s3 =	rddreg [dreg:$0x1]  }
0x3: {  	s1 =	rddreg [dreg:$0x2]  }
0x4: {  	s2 =	srdreg.scid;
	s6 =	stileid.u32;
	s25 =	simm.s32 $0x200  }
0x5: {  	s28 =	simm.s32 $0xD;
	s29 =	simm.s32 $0x100;
	s30 =	simm.s32 $0x180  }
0x6: {  	s31 =	simm.s32 $0x280;
	s10 =	simm.s32 $0x1;
	s26 =	simm.s32 $0x300  }
0x7: {  	s8 =	simm.s32 $0x2;
	s24 =	simm.s32 $0x380;
	s23 =	simm.s32 $0x3  }
0x8: {  	s22 =	simm.s32 $0x4;
	p0 =	por $0x0, $0x0;
	s11 =	simm.s32 $0xB  }
0x9: {  	s9 =	simm.s32 $0xC;
	s4 =	sand.u32 $0x1, s2;
	s5 =	sshll.u32 s6, $0x1  }
0xa: {  	s2 =	simm.s32 $0x0;
	s6 =	sshll.u32 s6, $0x2;
	s5 =	sor.u32 s4, s5  }
0xb: {  	[smem:$0x7FF] =	sst s2;
	s6 =	sand.u32 $0x30, s6;
	s17 =	ssub.s32 $0x2, s4  }
0xc: {  	s7 =	sshll.u32 s5, $0x9;
	s0 =	sadd.s32 s0, s6;
	s5 =	sshll.u32 s5, $0xE  }
0xd: {  	_ =	strace $0x80000047;
	s4 =	sshrl.u32 s17, $0x1;
	s7 =	sand.u32 $0xE00, s7  }
0xe: {  	s6 =	simm.s32 $0x4400;
	s15 =	sadd.s32 s1, s5;
	s0 =	sadd.s32 s7, s0  }
0xf: {  	s1 =	ssub.s32 s17, s4;
	s12 =	sadd.s32 $0x800, s15;
	[dreg:$0x4] =	wrdreg s0  }
0x10: {  	s17 =	simm.s32 $0xC400;
	s13 =	sadd.s32 $0x1000, s15;
	[dreg:$0x5] =	wrdreg s12  }
0x11: {  	s4 =	simm.s32 $0x7;
	s14 =	sadd.s32 $0x1800, s15;
	[dreg:$0x6] =	wrdreg s13  }
0x12: {  	s5 =	simm.s32 $0x8;
	s16 =	sadd.s32 $0x2000, s15;
	[dreg:$0x7] =	wrdreg s14  }
0x13: {  	s18 =	sadd.s32 $0x2800, s15;
	s21 =	smax.u32 s1, $0x1;
	[dreg:$0x8] =	wrdreg s16  }
0x14: {  	s19 =	sadd.s32 $0x3000, s15;
	[dreg:$0x9] =	wrdreg s18;
	p1 =	sne.s32 s21, $0x1  }
.Ltmp0:
0x15: {  	s20 =	sadd.s32 $0x3800, s15;
	[dreg:$0xa] =	wrdreg s19;
	(pc) =	sbr.rel @!p1 .LBB2_3-.Ltmp0, $4  }
0x16: {  	s7 =	simm.s32 $0x400;
	[dreg:$0xb] =	wrdreg s20;
	s18 =	simm.s32 $0x80  }
0x17: {  	s19 =	simm.s32 $0x8400;
	s16 =	simm.s32 $0x10400;
	s13 =	simm.s32 $0x14400  }
0x18: {  	s0 =	sadd.s32 $0xFFFFFFFF, s21;
	s21 =	simm.s32 $0x5;
	s20 =	simm.s32 $0x6  }
0x19: {  	s14 =	simm.s32 $0x9;
	s12 =	simm.s32 $0xA;
	s1 =	rddreg [dreg:$0x4]  }
0x1a: {  	[tilespmem:s2], [sflag:$0xD] =	stream.strided.gather [hbm4b:s1+s18], $0x400, s25, s18, $0x38;
	[tilespmem:$0x18400] =	vst v63  }
0x1b: {  	_ =	swait.ge [sflag:s28], $0x400  }
0x1c: {  	[sflag:s28] =	ssyncset.done $0x0  }
0x1d: {  	[sflag:s28] =	ssyncadd.s32 $0xFFFFFC00  }
0x1e: {  	[tilespmem:s7], [sflag:$0x1] =	stream.indirect.gather [hbm4b:s3+s18], $0x80, s2, s18, $0xb8;
	[tilespmem:$0x18400] =	vst v63  }
0x1f: {  	_ = 	snop  }
0x20: {  	[tilespmem:s6], [sflag:$0x2] =	stream.indirect.gather [hbm4b:s3+s18], $0x80, s18, s18, $0xb8;
	[tilespmem:$0x18400] =	vst v63  }
0x21: {  	_ = 	snop  }
0x22: {  	[tilespmem:s19], [sflag:$0x3] =	stream.indirect.gather [hbm4b:s3+s18], $0x80, s29, s18, $0xb8;
	[tilespmem:$0x18400] =	vst v63  }
0x23: {  	_ = 	snop  }
0x24: {  	[tilespmem:s17], [sflag:$0x4] =	stream.indirect.gather [hbm4b:s3+s18], $0x80, s30, s18, $0xb8;
	[tilespmem:$0x18400] =	vst v63  }
0x25: {  	_ = 	snop  }
0x26: {  	[tilespmem:s16], [sflag:$0x5] =	stream.indirect.gather [hbm4b:s3+s18], $0x80, s25, s18, $0xb8;
	[tilespmem:$0x18400] =	vst v63  }
0x27: {  	_ = 	snop  }
0x28: {  	[tilespmem:s13], [sflag:$0x6] =	stream.indirect.gather [hbm4b:s3+s18], $0x80, s31, s18, $0xb8;
	[tilespmem:$0x18400] =	vst v63  }
0x29: {  	_ =	swait.ge [sflag:s10], $0x4000  }
0x2a: {  	[sflag:s10] =	ssyncset.done $0x0  }
0x2b: {  	[sflag:s10] =	ssyncadd.s32 $0xFFFFC000  }
0x2c: {  	[hbm4b:s15+s2] =	stream.linear.scatter [tilespmem:s7], [sflag:$0x7], $0x4000, $0x38;
	[tilespmem:$0x18400] =	vst v63  }
0x2d: {  	_ =	swait.ge [sflag:s4], $0x4000  }
0x2e: {  	[sflag:s4] =	ssyncset.done $0x0  }
0x2f: {  	[sflag:s4] =	ssyncadd.s32 $0xFFFFC000  }
0x30: {  	[tilespmem:s7], [sflag:$0x1] =	stream.indirect.gather [hbm4b:s3+s18], $0x80, s26, s18, $0xb8;
	[tilespmem:$0x18400] =	vst v63  }
0x31: {  	_ =	swait.ge [sflag:s8], $0x4000  }
0x32: {  	[sflag:s8] =	ssyncset.done $0x0  }
0x33: {  	s1 =	rddreg [dreg:$0x5];
	[sflag:s8] =	ssyncadd.s32 $0xFFFFC000  }
0x34: {  	[hbm4b:s1+s2] =	stream.linear.scatter [tilespmem:s6], [sflag:$0x8], $0x4000, $0x38;
	[tilespmem:$0x18400] =	vst v63  }
0x35: {  	_ =	swait.ge [sflag:s5], $0x4000  }
0x36: {  	[sflag:s5] =	ssyncset.done $0x0  }
0x37: {  	[sflag:s5] =	ssyncadd.s32 $0xFFFFC000  }
0x38: {  	[tilespmem:s6], [sflag:$0x2] =	stream.indirect.gather [hbm4b:s3+s18], $0x80, s24, s18, $0xb8;
	[tilespmem:$0x18400] =	vst v63  }
0x39: {  	_ =	swait.ge [sflag:s23], $0x4000  }
0x3a: {  	[sflag:s23] =	ssyncset.done $0x0  }
0x3b: {  	s1 =	rddreg [dreg:$0x6];
	[sflag:s23] =	ssyncadd.s32 $0xFFFFC000  }
0x3c: {  	[hbm4b:s1+s2] =	stream.linear.scatter [tilespmem:s19], [sflag:$0x9], $0x4000, $0x38;
	[tilespmem:$0x18400] =	vst v63  }
0x3d: {  	_ =	swait.ge [sflag:s22], $0x4000  }
0x3e: {  	[sflag:s22] =	ssyncset.done $0x0  }
0x3f: {  	s1 =	rddreg [dreg:$0x7];
	[sflag:s22] =	ssyncadd.s32 $0xFFFFC000  }
0x40: {  	[hbm4b:s1+s2] =	stream.linear.scatter [tilespmem:s17], [sflag:$0xA], $0x4000, $0x38;
	[tilespmem:$0x18400] =	vst v63  }
0x41: {  	_ =	swait.ge [sflag:s21], $0x4000  }
0x42: {  	[sflag:s21] =	ssyncset.done $0x0  }
0x43: {  	s1 =	rddreg [dreg:$0x8];
	[sflag:s21] =	ssyncadd.s32 $0xFFFFC000  }
0x44: {  	[hbm4b:s1+s2] =	stream.linear.scatter [tilespmem:s16], [sflag:$0xB], $0x4000, $0x38;
	[tilespmem:$0x18400] =	vst v63  }
0x45: {  	_ =	swait.ge [sflag:s20], $0x4000  }
0x46: {  	[sflag:s20] =	ssyncset.done $0x0  }
0x47: {  	s1 =	rddreg [dreg:$0x9];
	[sflag:s20] =	ssyncadd.s32 $0xFFFFC000  }
0x48: {  	[hbm4b:s1+s2] =	stream.linear.scatter [tilespmem:s13], [sflag:$0xC], $0x4000, $0x38;
	[tilespmem:$0x18400] =	vst v63  }
0x49: {  	_ =	swait.ge [sflag:s10], $0x4000  }
0x4a: {  	[sflag:s10] =	ssyncset.done $0x0  }
0x4b: {  	s1 =	rddreg [dreg:$0xa];
	[sflag:s10] =	ssyncadd.s32 $0xFFFFC000  }
0x4c: {  	[hbm4b:s1+s2] =	stream.linear.scatter [tilespmem:s7], [sflag:$0x7], $0x4000, $0x38;
	[tilespmem:$0x18400] =	vst v63  }
0x4d: {  	_ =	swait.ge [sflag:s8], $0x4000  }
0x4e: {  	[sflag:s8] =	ssyncset.done $0x0  }
0x4f: {  	s1 =	rddreg [dreg:$0xb];
	[sflag:s8] =	ssyncadd.s32 $0xFFFFC000  }
0x50: {  	[hbm4b:s1+s2] =	stream.linear.scatter [tilespmem:s6], [sflag:$0x8], $0x4000, $0x38;
	[tilespmem:$0x18400] =	vst v63  }
0x51: {  	_ =	swait.ge [sflag:s14], $0x4000  }
0x52: {  	[sflag:s14] =	ssyncset.done $0x0  }
0x53: {  	[sflag:s14] =	ssyncadd.s32 $0xFFFFC000  }
0x54: {  	_ =	swait.ge [sflag:s12], $0x4000  }
0x55: {  	[sflag:s12] =	ssyncset.done $0x0  }
0x56: {  	[sflag:s12] =	ssyncadd.s32 $0xFFFFC000  }
0x57: {  	_ =	swait.ge [sflag:s11], $0x4000  }
0x58: {  	[sflag:s11] =	ssyncset.done $0x0  }
0x59: {  	[sflag:s11] =	ssyncadd.s32 $0xFFFFC000  }
0x5a: {  	_ =	swait.ge [sflag:s9], $0x4000  }
0x5b: {  	[sflag:s9] =	ssyncset.done $0x0  }
0x5c: {  	p1 =	sne.s32 s0, $0x1;
	[sflag:s9] =	ssyncadd.s32 $0xFFFFC000  }
.Ltmp1:
0x5d: {  	_ =	swait.ge [sflag:s4], $0x4000;
	(pc) =	sbr.rel @!p1 .LBB2_3-.Ltmp1, $4  }
0x5e: {  	[sflag:s4] =	ssyncset.done $0x0  }
0x5f: {  	[sflag:s4] =	ssyncadd.s32 $0xFFFFC000  }
0x60: {  	s0 =	sadd.s32 $0xFFFFFFFF, s0;
	_ =	swait.ge [sflag:s5], $0x4000  }
0x61: {  	p0 =	por $0x1, $0x1;
	s1 =	rddreg [dreg:$0x4];
	[sflag:s5] =	ssyncset.done $0x0  }
.LBB2_2:
0x62: {  	[sflag:s5] =	ssyncadd.s32 $0xFFFFC000  }
0x63: {  	[tilespmem:s2], [sflag:$0xD] =	stream.strided.gather [hbm4b:s1+s18], $0x400, s25, s18, $0x38;
	[tilespmem:$0x18400] =	vst v63  }
0x64: {  	_ =	swait.ge [sflag:s28], $0x400  }
0x65: {  	[sflag:s28] =	ssyncset.done $0x0  }
0x66: {  	[sflag:s28] =	ssyncadd.s32 $0xFFFFFC00  }
0x67: {  	[tilespmem:s7], [sflag:$0x1] =	stream.indirect.gather [hbm4b:s3+s18], $0x80, s2, s18, $0xb8;
	[tilespmem:$0x18400] =	vst v63  }
0x68: {  	_ = 	snop  }
0x69: {  	[tilespmem:s6], [sflag:$0x2] =	stream.indirect.gather [hbm4b:s3+s18], $0x80, s18, s18, $0xb8;
	[tilespmem:$0x18400] =	vst v63  }
0x6a: {  	_ = 	snop  }
0x6b: {  	[tilespmem:s19], [sflag:$0x3] =	stream.indirect.gather [hbm4b:s3+s18], $0x80, s29, s18, $0xb8;
	[tilespmem:$0x18400] =	vst v63  }
0x6c: {  	_ = 	snop  }
0x6d: {  	[tilespmem:s17], [sflag:$0x4] =	stream.indirect.gather [hbm4b:s3+s18], $0x80, s30, s18, $0xb8;
	[tilespmem:$0x18400] =	vst v63  }
0x6e: {  	_ = 	snop  }
0x6f: {  	[tilespmem:s16], [sflag:$0x5] =	stream.indirect.gather [hbm4b:s3+s18], $0x80, s25, s18, $0xb8;
	[tilespmem:$0x18400] =	vst v63  }
0x70: {  	_ = 	snop  }
0x71: {  	[tilespmem:s13], [sflag:$0x6] =	stream.indirect.gather [hbm4b:s3+s18], $0x80, s31, s18, $0xb8;
	[tilespmem:$0x18400] =	vst v63  }
0x72: {  	_ =	swait.ge [sflag:s10], $0x4000  }
0x73: {  	[sflag:s10] =	ssyncset.done $0x0  }
0x74: {  	[sflag:s10] =	ssyncadd.s32 $0xFFFFC000  }
0x75: {  	[hbm4b:s15+s2] =	stream.linear.scatter [tilespmem:s7], [sflag:$0x7], $0x4000, $0x38;
	[tilespmem:$0x18400] =	vst v63  }
0x76: {  	_ =	swait.ge [sflag:s4], $0x4000  }
0x77: {  	[sflag:s4] =	ssyncset.done $0x0  }
0x78: {  	[sflag:s4] =	ssyncadd.s32 $0xFFFFC000  }
0x79: {  	[tilespmem:s7], [sflag:$0x1] =	stream.indirect.gather [hbm4b:s3+s18], $0x80, s26, s18, $0xb8;
	[tilespmem:$0x18400] =	vst v63  }
0x7a: {  	_ =	swait.ge [sflag:s8], $0x4000  }
0x7b: {  	[sflag:s8] =	ssyncset.done $0x0  }
0x7c: {  	s1 =	rddreg [dreg:$0x5];
	[sflag:s8] =	ssyncadd.s32 $0xFFFFC000  }
0x7d: {  	[hbm4b:s1+s2] =	stream.linear.scatter [tilespmem:s6], [sflag:$0x8], $0x4000, $0x38;
	[tilespmem:$0x18400] =	vst v63  }
0x7e: {  	_ =	swait.ge [sflag:s5], $0x4000  }
0x7f: {  	[sflag:s5] =	ssyncset.done $0x0  }
0x80: {  	[sflag:s5] =	ssyncadd.s32 $0xFFFFC000  }
0x81: {  	[tilespmem:s6], [sflag:$0x2] =	stream.indirect.gather [hbm4b:s3+s18], $0x80, s24, s18, $0xb8;
	[tilespmem:$0x18400] =	vst v63  }
0x82: {  	_ =	swait.ge [sflag:s23], $0x4000  }
0x83: {  	[sflag:s23] =	ssyncset.done $0x0  }
0x84: {  	s1 =	rddreg [dreg:$0x6];
	[sflag:s23] =	ssyncadd.s32 $0xFFFFC000  }
0x85: {  	[hbm4b:s1+s2] =	stream.linear.scatter [tilespmem:s19], [sflag:$0x9], $0x4000, $0x38;
	[tilespmem:$0x18400] =	vst v63  }
0x86: {  	_ =	swait.ge [sflag:s22], $0x4000  }
0x87: {  	[sflag:s22] =	ssyncset.done $0x0  }
0x88: {  	s1 =	rddreg [dreg:$0x7];
	[sflag:s22] =	ssyncadd.s32 $0xFFFFC000  }
0x89: {  	[hbm4b:s1+s2] =	stream.linear.scatter [tilespmem:s17], [sflag:$0xA], $0x4000, $0x38;
	[tilespmem:$0x18400] =	vst v63  }
0x8a: {  	_ =	swait.ge [sflag:s21], $0x4000  }
0x8b: {  	[sflag:s21] =	ssyncset.done $0x0  }
0x8c: {  	s1 =	rddreg [dreg:$0x8];
	[sflag:s21] =	ssyncadd.s32 $0xFFFFC000  }
0x8d: {  	[hbm4b:s1+s2] =	stream.linear.scatter [tilespmem:s16], [sflag:$0xB], $0x4000, $0x38;
	[tilespmem:$0x18400] =	vst v63  }
0x8e: {  	_ =	swait.ge [sflag:s20], $0x4000  }
0x8f: {  	[sflag:s20] =	ssyncset.done $0x0  }
0x90: {  	s1 =	rddreg [dreg:$0x9];
	[sflag:s20] =	ssyncadd.s32 $0xFFFFC000  }
0x91: {  	[hbm4b:s1+s2] =	stream.linear.scatter [tilespmem:s13], [sflag:$0xC], $0x4000, $0x38;
	[tilespmem:$0x18400] =	vst v63  }
0x92: {  	_ =	swait.ge [sflag:s10], $0x4000  }
0x93: {  	[sflag:s10] =	ssyncset.done $0x0  }
0x94: {  	s1 =	rddreg [dreg:$0xa];
	[sflag:s10] =	ssyncadd.s32 $0xFFFFC000  }
0x95: {  	[hbm4b:s1+s2] =	stream.linear.scatter [tilespmem:s7], [sflag:$0x7], $0x4000, $0x38;
	[tilespmem:$0x18400] =	vst v63  }
0x96: {  	_ =	swait.ge [sflag:s8], $0x4000  }
0x97: {  	[sflag:s8] =	ssyncset.done $0x0  }
0x98: {  	s1 =	rddreg [dreg:$0xb];
	[sflag:s8] =	ssyncadd.s32 $0xFFFFC000  }
0x99: {  	[hbm4b:s1+s2] =	stream.linear.scatter [tilespmem:s6], [sflag:$0x8], $0x4000, $0x38;
	[tilespmem:$0x18400] =	vst v63  }
0x9a: {  	_ =	swait.ge [sflag:s14], $0x4000  }
0x9b: {  	[sflag:s14] =	ssyncset.done $0x0  }
0x9c: {  	[sflag:s14] =	ssyncadd.s32 $0xFFFFC000  }
0x9d: {  	_ =	swait.ge [sflag:s12], $0x4000  }
0x9e: {  	[sflag:s12] =	ssyncset.done $0x0  }
0x9f: {  	[sflag:s12] =	ssyncadd.s32 $0xFFFFC000  }
0xa0: {  	_ =	swait.ge [sflag:s11], $0x4000  }
0xa1: {  	[sflag:s11] =	ssyncset.done $0x0  }
0xa2: {  	[sflag:s11] =	ssyncadd.s32 $0xFFFFC000  }
0xa3: {  	_ =	swait.ge [sflag:s9], $0x4000  }
0xa4: {  	[sflag:s9] =	ssyncset.done $0x0  }
0xa5: {  	p1 =	sne.s32 s0, $0x1;
	[sflag:s9] =	ssyncadd.s32 $0xFFFFC000  }
.Ltmp2:
0xa6: {  	_ =	swait.ge [sflag:s4], $0x4000;
	(pc) =	sbr.rel @p1 .LBB2_2-.Ltmp2, $4  }
0xa7: {  	[sflag:s4] =	ssyncset.done $0x0  }
0xa8: {  	[sflag:s4] =	ssyncadd.s32 $0xFFFFC000  }
0xa9: {  	_ =	swait.ge [sflag:s5], $0x4000  }
0xaa: {  	s0 =	sadd.s32 $0xFFFFFFFF, s0;
	s1 =	rddreg [dreg:$0x4];
	[sflag:s5] =	ssyncset.done $0x0  }
.LBB2_3:
0xab: {  	[sflag:s5] =	ssyncadd.s32 @p0 $0xFFFFC000  }
0xac: {  	[tilespmem:s2], [sflag:$0xD] =	stream.strided.gather [hbm4b:s1+s18], $0x400, s25, s18, $0x38;
	[tilespmem:$0x18400] =	vst v63  }
0xad: {  	_ =	swait.ge [sflag:s28], $0x400  }
0xae: {  	[sflag:s28] =	ssyncset.done $0x0  }
0xaf: {  	[sflag:s28] =	ssyncadd.s32 $0xFFFFFC00  }
0xb0: {  	[tilespmem:s7], [sflag:$0x1] =	stream.indirect.gather [hbm4b:s3+s18], $0x80, s2, s18, $0xb8;
	[tilespmem:$0x18400] =	vst v63  }
0xb1: {  	_ = 	snop  }
0xb2: {  	[tilespmem:s6], [sflag:$0x2] =	stream.indirect.gather [hbm4b:s3+s18], $0x80, s18, s18, $0xb8;
	[tilespmem:$0x18400] =	vst v63  }
0xb3: {  	_ = 	snop  }
0xb4: {  	[tilespmem:s19], [sflag:$0x3] =	stream.indirect.gather [hbm4b:s3+s18], $0x80, s29, s18, $0xb8;
	[tilespmem:$0x18400] =	vst v63  }
0xb5: {  	_ = 	snop  }
0xb6: {  	[tilespmem:s17], [sflag:$0x4] =	stream.indirect.gather [hbm4b:s3+s18], $0x80, s30, s18, $0xb8;
	[tilespmem:$0x18400] =	vst v63  }
0xb7: {  	_ = 	snop  }
0xb8: {  	[tilespmem:s16], [sflag:$0x5] =	stream.indirect.gather [hbm4b:s3+s18], $0x80, s25, s18, $0xb8;
	[tilespmem:$0x18400] =	vst v63  }
0xb9: {  	_ = 	snop  }
0xba: {  	[tilespmem:s13], [sflag:$0x6] =	stream.indirect.gather [hbm4b:s3+s18], $0x80, s31, s18, $0xb8;
	[tilespmem:$0x18400] =	vst v63  }
0xbb: {  	_ =	swait.ge [sflag:s10], $0x4000  }
0xbc: {  	[sflag:s10] =	ssyncset.done $0x0  }
0xbd: {  	[sflag:s10] =	ssyncadd.s32 $0xFFFFC000  }
0xbe: {  	[hbm4b:s15+s2] =	stream.linear.scatter [tilespmem:s7], [sflag:$0x7], $0x4000, $0x38;
	[tilespmem:$0x18400] =	vst v63  }
0xbf: {  	_ =	swait.ge [sflag:s4], $0x4000  }
0xc0: {  	[sflag:s4] =	ssyncset.done $0x0  }
0xc1: {  	[sflag:s4] =	ssyncadd.s32 $0xFFFFC000  }
0xc2: {  	[tilespmem:s7], [sflag:$0x1] =	stream.indirect.gather [hbm4b:s3+s18], $0x80, s26, s18, $0xb8;
	[tilespmem:$0x18400] =	vst v63  }
0xc3: {  	_ =	swait.ge [sflag:s8], $0x4000  }
0xc4: {  	[sflag:s8] =	ssyncset.done $0x0  }
0xc5: {  	s0 =	rddreg [dreg:$0x5];
	[sflag:s8] =	ssyncadd.s32 $0xFFFFC000  }
0xc6: {  	[hbm4b:s0+s2] =	stream.linear.scatter [tilespmem:s6], [sflag:$0x8], $0x4000, $0x38;
	[tilespmem:$0x18400] =	vst v63  }
0xc7: {  	_ =	swait.ge [sflag:s5], $0x4000  }
0xc8: {  	[sflag:s5] =	ssyncset.done $0x0  }
0xc9: {  	[sflag:s5] =	ssyncadd.s32 $0xFFFFC000  }
0xca: {  	[tilespmem:s6], [sflag:$0x2] =	stream.indirect.gather [hbm4b:s3+s18], $0x80, s24, s18, $0xb8;
	[tilespmem:$0x18400] =	vst v63  }
0xcb: {  	_ =	swait.ge [sflag:s23], $0x4000  }
0xcc: {  	[sflag:s23] =	ssyncset.done $0x0  }
0xcd: {  	s24 =	rddreg [dreg:$0x6];
	[sflag:s23] =	ssyncadd.s32 $0xFFFFC000  }
0xce: {  	[hbm4b:s24+s2] =	stream.linear.scatter [tilespmem:s19], [sflag:$0x9], $0x4000, $0x38;
	[tilespmem:$0x18400] =	vst v63  }
0xcf: {  	_ =	swait.ge [sflag:s22], $0x4000  }
0xd0: {  	[sflag:s22] =	ssyncset.done $0x0  }
0xd1: {  	s25 =	rddreg [dreg:$0x7];
	[sflag:s22] =	ssyncadd.s32 $0xFFFFC000  }
0xd2: {  	[hbm4b:s25+s2] =	stream.linear.scatter [tilespmem:s17], [sflag:$0xA], $0x4000, $0x38;
	[tilespmem:$0x18400] =	vst v63  }
0xd3: {  	_ =	swait.ge [sflag:s21], $0x4000  }
0xd4: {  	[sflag:s21] =	ssyncset.done $0x0  }
0xd5: {  	s26 =	rddreg [dreg:$0x8];
	[sflag:s21] =	ssyncadd.s32 $0xFFFFC000  }
0xd6: {  	[hbm4b:s26+s2] =	stream.linear.scatter [tilespmem:s16], [sflag:$0xB], $0x4000, $0x38;
	[tilespmem:$0x18400] =	vst v63  }
0xd7: {  	_ =	swait.ge [sflag:s20], $0x4000  }
0xd8: {  	[sflag:s20] =	ssyncset.done $0x0  }
0xd9: {  	s28 =	rddreg [dreg:$0x9];
	[sflag:s20] =	ssyncadd.s32 $0xFFFFC000  }
0xda: {  	[hbm4b:s28+s2] =	stream.linear.scatter [tilespmem:s13], [sflag:$0xC], $0x4000, $0x38;
	[tilespmem:$0x18400] =	vst v63  }
0xdb: {  	_ =	swait.ge [sflag:s10], $0x4000  }
0xdc: {  	[sflag:s10] =	ssyncset.done $0x0  }
0xdd: {  	s29 =	rddreg [dreg:$0xa];
	[sflag:s10] =	ssyncadd.s32 $0xFFFFC000  }
0xde: {  	[hbm4b:s29+s2] =	stream.linear.scatter [tilespmem:s7], [sflag:$0x7], $0x4000, $0x38;
	[tilespmem:$0x18400] =	vst v63  }
0xdf: {  	_ =	swait.ge [sflag:s8], $0x4000  }
0xe0: {  	[sflag:s8] =	ssyncset.done $0x0  }
0xe1: {  	s30 =	rddreg [dreg:$0xb];
	[sflag:s8] =	ssyncadd.s32 $0xFFFFC000  }
0xe2: {  	[hbm4b:s30+s2] =	stream.linear.scatter [tilespmem:s6], [sflag:$0x8], $0x4000, $0x38;
	[tilespmem:$0x18400] =	vst v63  }
0xe3: {  	_ =	swait.ge [sflag:s14], $0x4000  }
0xe4: {  	[sflag:s14] =	ssyncset.done $0x0  }
0xe5: {  	[sflag:s14] =	ssyncadd.s32 $0xFFFFC000  }
0xe6: {  	_ =	swait.ge [sflag:s12], $0x4000  }
0xe7: {  	[sflag:s12] =	ssyncset.done $0x0  }
0xe8: {  	[sflag:s12] =	ssyncadd.s32 $0xFFFFC000  }
0xe9: {  	_ =	swait.ge [sflag:s11], $0x4000  }
0xea: {  	[sflag:s11] =	ssyncset.done $0x0  }
0xeb: {  	[sflag:s11] =	ssyncadd.s32 $0xFFFFC000  }
0xec: {  	_ =	swait.ge [sflag:s9], $0x4000  }
0xed: {  	[sflag:s9] =	ssyncset.done $0x0  }
0xee: {  	[sflag:s9] =	ssyncadd.s32 $0xFFFFC000  }
0xef: {  	_ =	swait.ge [sflag:s4], $0x4000  }
0xf0: {  	[sflag:s4] =	ssyncset.done $0x0  }
0xf1: {  	[sflag:s4] =	ssyncadd.s32 $0xFFFFC000  }
0xf2: {  	_ =	swait.ge [sflag:s5], $0x4000  }
0xf3: {  	[sflag:s5] =	ssyncset.done $0x0  }
0xf4: {  	[sflag:s5] =	ssyncadd.s32 $0xFFFFC000  }
0xf5: {  	_ =	sfence.sel $0x180000  }
0xf6: {  	[bflag:$0x0] =	sbarrier.arrive $0xFFFF  }
0xf7: {  	_ =	strace $0x90000047  }
0xf8: {  	s31 =	stileid.u32;
	[bflag:$0x2] =	sbarrier.arrive $0xFFFF  }
0xf9: {  	p0 =	sne.s32 s31, $0x0;
	s0 =	rddreg [dreg:$0x3]  }
0xfa: {  	s0 =	sadd.s32 @!p0 $0x100000, s0  }
0xfb: {  	[sflag:s0] =	ssyncadd.tile.s32 @!p0 $0x1;
	_ =	shalt  }
.Lfunc_end2:
_tile_overlayer_lowered:
.L_overlay_start_2:
0xfc: {  	(tag) =	ssettag $0x2  }
0xfd: {  	s0 =	rddreg [dreg:$0x0];
	s2 =	stileid.u32  }
0xfe: {  	s1 =	rddreg [dreg:$0x1];
	p0 =	sne.s32 s2, $0x0  }
0xff: {  	s3 =	rddreg [dreg:$0x2];
	[bflag:$0x3] =	sbarrier.arrive $0xFFFF;
	s2 =	simm.s32 @!p0 $0x1C0D  }
0x100: {  	[timem:s3], [sflag:s2] =	dma.local @!p0 [hbm:s0], s1  }
0x101: {  	s0 =	simm.s32 @!p0 $0xD  }
0x102: {  	_ =	swait.ge @!p0 [sflag:s0], s1  }
0x103: {  	s1 =	ssub.s32 @!p0 $0x0, s1;
	[sflag:s0] =	ssyncset.done @!p0 $0x0  }
0x104: {  	[sflag:s0] =	ssyncadd.s32 @!p0 s1  }
0x105: {  	[bflag:$0x3] =	sbarrier.arrive $0xFFFF  }
0x106: {  	_ =	shalt  }

</sc_bundles>
